<compile_context>
chip_gen: v7x
topology: tpu7x:2x2x1
jax: 0.10.2.dev20260603
libtpu: 0.0.44.dev20260713+nightly
codegen_flags: <defaults>
</compile_context>

<pallas_src>
import functools

import jax
import jax.numpy as jnp
from jax import lax
from jax.experimental import pallas as pl
from jax.experimental.pallas import tpu as pltpu
from jax.experimental.pallas import tpu_sc as plsc

N_NODES = 10000
D = 256
DH = 128
N_SC = 2
N_TILES = 16
CHUNK = 128
ROWS_PER_TILE = 624
TAIL_ROWS = N_NODES - N_TILES * ROWS_PER_TILE
ACC_ROWS = N_NODES + 8


def _sc_aggregate(feat_cat, src_lo, src_hi, dst_idx):
    n_chunks = src_lo.shape[1]
    mesh = plsc.VectorSubcoreMesh(core_axis_name="c", subcore_axis_name="s")

    @functools.partial(
        pl.kernel,
        mesh=mesh,
        out_type=jax.ShapeDtypeStruct((N_SC * N_NODES, DH), jnp.float32),
        scratch_types=[
            pltpu.VMEM_SHARED((ACC_ROWS, DH), jnp.float32),
            pltpu.VMEM((n_chunks, CHUNK), jnp.int32),
            pltpu.VMEM((n_chunks, CHUNK), jnp.int32),
            pltpu.VMEM((CHUNK, DH), jnp.float32),
            pltpu.SemaphoreType.DMA,
        ],
    )
    def agg(feat_hbm, src_lo_hbm, src_hi_hbm, dst_hbm, out_hbm,
            acc, src_v, dst_v, rows_v, sem):
        c = lax.axis_index("c")
        s = lax.axis_index("s")
        node0 = s * ROWS_PER_TILE

        pltpu.sync_copy(
            feat_hbm.at[pl.ds(c * N_NODES + node0, ROWS_PER_TILE)],
            acc.at[pl.ds(node0, ROWS_PER_TILE)])

        @pl.when(s == N_TILES - 1)
        def _():
            tail0 = N_TILES * ROWS_PER_TILE
            pltpu.sync_copy(
                feat_hbm.at[pl.ds(c * N_NODES + tail0, TAIL_ROWS)],
                acc.at[pl.ds(tail0, TAIL_ROWS)])

        @pl.when(c == 0)
        def _():
            pltpu.sync_copy(src_lo_hbm.at[s], src_v)

        @pl.when(c == 1)
        def _():
            pltpu.sync_copy(src_hi_hbm.at[s], src_v)

        pltpu.sync_copy(dst_hbm.at[s], dst_v)
        plsc.subcore_barrier()

        def body(j, carry):
            pltpu.async_copy(feat_hbm.at[src_v.at[j]], rows_v, sem).wait()
            pltpu.sync_copy(rows_v, acc.at[dst_v.at[j]], add=True)
            return carry

        lax.fori_loop(0, n_chunks, body, 0)

        plsc.subcore_barrier()
        pltpu.sync_copy(
            acc.at[pl.ds(node0, ROWS_PER_TILE)],
            out_hbm.at[pl.ds(c * N_NODES + node0, ROWS_PER_TILE)])

        @pl.when(s == N_TILES - 1)
        def _():
            tail0 = N_TILES * ROWS_PER_TILE
            pltpu.sync_copy(
                acc.at[pl.ds(tail0, TAIL_ROWS)],
                out_hbm.at[pl.ds(c * N_NODES + tail0, TAIL_ROWS)])

    return agg(feat_cat, src_lo, src_hi, dst_idx)


def _tc_linear(rst_cat, W, b2):
    MB = 1000
    nblk = N_NODES // MB

    def body(lo_ref, hi_ref, w_ref, b_ref, out_ref):
        w = w_ref[...]
        acc = lax.dot_general(lo_ref[...], w[:, :DH],
                              (((1,), (1,)), ((), ())),
                              preferred_element_type=jnp.float32)
        acc = acc + lax.dot_general(hi_ref[...], w[:, DH:],
                                    (((1,), (1,)), ((), ())),
                                    preferred_element_type=jnp.float32)
        out_ref[...] = acc + b_ref[...]

    return pl.pallas_call(
        body,
        grid=(nblk,),
        in_specs=[
            pl.BlockSpec((MB, DH), lambda i: (i, 0)),
            pl.BlockSpec((MB, DH), lambda i: (i + nblk, 0)),
            pl.BlockSpec((D, D), lambda i: (0, 0)),
            pl.BlockSpec((1, D), lambda i: (0, 0)),
        ],
        out_specs=pl.BlockSpec((MB, D), lambda i: (i, 0)),
        out_shape=jax.ShapeDtypeStruct((N_NODES, D), jnp.float32),
    )(rst_cat, rst_cat, W, b2)


def kernel(feat, edge_index, W, b):
    src = edge_index[0].astype(jnp.int32)
    dst = edge_index[1].astype(jnp.int32)
    e = src.shape[0]
    n_chunks = -(-e // (N_TILES * CHUNK))
    e_pad = N_TILES * n_chunks * CHUNK
    pad = e_pad - e

    feat_cat = jnp.concatenate([feat[:, :DH], feat[:, DH:]], axis=0)

    src_p = jnp.concatenate([src, jnp.zeros((pad,), jnp.int32)])
    dst_p = jnp.concatenate([dst, jnp.full((pad,), N_NODES, jnp.int32)])
    src_lo = src_p.reshape(N_TILES, n_chunks, CHUNK)
    src_hi = src_lo + N_NODES
    dst_r = dst_p.reshape(N_TILES, n_chunks, CHUNK)

    rst_cat = _sc_aggregate(feat_cat, src_lo, src_hi, dst_r)
    return _tc_linear(rst_cat, W, b.reshape(1, D))

# --- scband reference (transcript-rebuilt; emitter-appended) ---
"""Pipeline reference for scband-my-ginconv-71554155152097 (READ-ONLY COPY).

The authoritative reference and input builder live on the scoring server;
editing this copy changes nothing except your own understanding.
"""

import jax, jax.numpy as jnp
import numpy as np

N_NODES = 10000
N_EDGES = 160000
D_FEAT = 256


def setup_inputs(seed: int = 0) -> dict:
    key = jax.random.key(seed)
    k1, k2, k3, k4 = jax.random.split(key, 4)
    feat = jax.random.normal(k1, (N_NODES, D_FEAT), dtype=jnp.float32)
    edge_index = jax.random.randint(k2, (2, N_EDGES), 0, N_NODES)
    # apply_func = Linear(256, 256) parameters
    W = jax.random.normal(k3, (D_FEAT, D_FEAT), dtype=jnp.float32) * (1.0 / np.sqrt(D_FEAT))
    b = jax.random.normal(k4, (D_FEAT,), dtype=jnp.float32) * 0.01
    return {"feat": feat, "edge_index": edge_index, "W": W, "b": b}


def reference(feat, edge_index, W, b):
    # GINConv with aggregator_type='sum', eps=0 (buffer, not learned), apply_func=Linear
    eps = 0.0
    src = edge_index[0]
    dst = edge_index[1]
    # message: copy_src('h', 'm') -> gather source node features per edge
    msgs = jnp.take(feat, src, axis=0)
    # reduce: fn.sum('m', 'neigh') -> scatter-add by destination node
    neigh = jax.ops.segment_sum(msgs, dst, num_segments=feat.shape[0])
    rst = (1.0 + eps) * feat + neigh
    # apply_func: Linear
    out = rst @ W.T + b
    return out

if __name__ == "__main__":
    import jax
    _d = setup_inputs()
    print(jax.jit(kernel)(*tuple(_d.values())))

</pallas_src>

<mosaic_0001>
#map = affine_map<(d0, d1) -> (0, 0)>
#map1 = affine_map<(d0, d1) -> (0, 0, 0)>
module attributes {stable_mosaic.version = 14 : i64} {
  func.func @agg(%arg0: i32, %arg1: i32, %arg2: memref<20000x128xf32, #tpu.memory_space<hbm>>, %arg3: memref<16x79x128xi32, #tpu.memory_space<hbm>>, %arg4: memref<16x79x128xi32, #tpu.memory_space<hbm>>, %arg5: memref<16x79x128xi32, #tpu.memory_space<hbm>>, %arg6: memref<20000x128xf32, #tpu.memory_space<hbm>>, %arg7: memref<10008x128xf32, #tpu.memory_space<vmem_shared>>, %arg8: memref<79x128xi32, #tpu.memory_space<vmem>>, %arg9: memref<79x128xi32, #tpu.memory_space<vmem>>, %arg10: memref<128x128xf32, #tpu.memory_space<vmem>>, %arg11: memref<!tpu.dma_semaphore, #tpu.memory_space<semaphore_mem>>) attributes {dimension_semantics = [#tpu.dimension_semantics<core_parallel>, #tpu.dimension_semantics<subcore_parallel>], iteration_bounds = array<i64: 2, 16>, scalar_prefetch = 0 : i64, scratch_operands = 5 : i64, tpu.core_type = #tpu.core_type<sc_vector_subcore>, window_params = [{transform_indices = #map}, {transform_indices = #map1}, {transform_indices = #map1}, {transform_indices = #map1}, {transform_indices = #map}]} {
    %mul3A = arith.constant 624 : i32
    %mul3A_0 = arith.muli %arg1, %mul3A : i32
    %mul3A_1 = arith.constant 10000 : i32
    %mul3A_2 = arith.muli %arg0, %mul3A_1 : i32
    %add3A = arith.addi %mul3A_2, %mul3A_0 : i32
    "tpu.region"() ({
      %run_scoped3A = tpu.sem_alloc : memref<!tpu.dma_semaphore, #tpu.memory_space<semaphore_mem>>
      %dma_start3A = arith.constant 0 : i32
      %dma_start3A_29 = tpu.memref_slice %arg7[%mul3A_0, %dma_start3A] : memref<10008x128xf32, #tpu.memory_space<vmem_shared>> -> memref<624x128xf32, #tpu.memory_space<vmem_shared>>
      %dma_start3A_30 = arith.constant 0 : i32
      %dma_start3A_31 = tpu.memref_slice %arg2[%add3A, %dma_start3A_30] : memref<20000x128xf32, #tpu.memory_space<hbm>> -> memref<624x128xf32, #tpu.memory_space<hbm>>
      tpu.enqueue_dma source(%dma_start3A_31 : memref<624x128xf32, #tpu.memory_space<hbm>>) target(%dma_start3A_29 : memref<624x128xf32, #tpu.memory_space<vmem_shared>>) target_semaphore(%run_scoped3A : memref<!tpu.dma_semaphore, #tpu.memory_space<semaphore_mem>>)
      %dma_wait3A = arith.constant 0 : i32
      %dma_wait3A_32 = tpu.memref_slice %arg7[%mul3A_0, %dma_wait3A] : memref<10008x128xf32, #tpu.memory_space<vmem_shared>> -> memref<624x128xf32, #tpu.memory_space<vmem_shared>>
      %dma_wait3A_33 = arith.constant 0 : i32
      %dma_wait3A_34 = tpu.memref_slice %arg2[%add3A, %dma_wait3A_33] : memref<20000x128xf32, #tpu.memory_space<hbm>> -> memref<624x128xf32, #tpu.memory_space<hbm>>
      tpu.wait_dma2 semaphore(%run_scoped3A : memref<!tpu.dma_semaphore, #tpu.memory_space<semaphore_mem>>) src(%dma_wait3A_34 : memref<624x128xf32, #tpu.memory_space<hbm>>) dst(%dma_wait3A_32 : memref<624x128xf32, #tpu.memory_space<vmem_shared>>)
      tpu.yield
    }) : () -> ()
    %eq3A = arith.constant 15 : i32
    %eq3A_3 = arith.cmpi eq, %arg1, %eq3A : i32
    %convert_element_type3A = arith.extui %eq3A_3 : i1 to i32
    %cond3A = arith.constant 0 : i32
    %cond3A_4 = arith.cmpi ne, %convert_element_type3A, %cond3A : i32
    scf.if %cond3A_4 {
      %mul3A_29 = arith.constant 10000 : i32
      %mul3A_30 = arith.muli %arg0, %mul3A_29 : i32
      %add3A_31 = arith.constant 9984 : i32
      %add3A_32 = arith.addi %mul3A_30, %add3A_31 : i32
      "tpu.region"() ({
        %run_scoped3A = tpu.sem_alloc : memref<!tpu.dma_semaphore, #tpu.memory_space<semaphore_mem>>
        %dma_start3A = arith.constant 9984 : i32
        %dma_start3A_33 = arith.constant 0 : i32
        %dma_start3A_34 = tpu.memref_slice %arg7[%dma_start3A, %dma_start3A_33] : memref<10008x128xf32, #tpu.memory_space<vmem_shared>> -> memref<16x128xf32, #tpu.memory_space<vmem_shared>>
        %dma_start3A_35 = arith.constant 0 : i32
        %dma_start3A_36 = tpu.memref_slice %arg2[%add3A_32, %dma_start3A_35] : memref<20000x128xf32, #tpu.memory_space<hbm>> -> memref<16x128xf32, #tpu.memory_space<hbm>>
        tpu.enqueue_dma source(%dma_start3A_36 : memref<16x128xf32, #tpu.memory_space<hbm>>) target(%dma_start3A_34 : memref<16x128xf32, #tpu.memory_space<vmem_shared>>) target_semaphore(%run_scoped3A : memref<!tpu.dma_semaphore, #tpu.memory_space<semaphore_mem>>)
        %dma_wait3A = arith.constant 9984 : i32
        %dma_wait3A_37 = arith.constant 0 : i32
        %dma_wait3A_38 = tpu.memref_slice %arg7[%dma_wait3A, %dma_wait3A_37] : memref<10008x128xf32, #tpu.memory_space<vmem_shared>> -> memref<16x128xf32, #tpu.memory_space<vmem_shared>>
        %dma_wait3A_39 = arith.constant 0 : i32
        %dma_wait3A_40 = tpu.memref_slice %arg2[%add3A_32, %dma_wait3A_39] : memref<20000x128xf32, #tpu.memory_space<hbm>> -> memref<16x128xf32, #tpu.memory_space<hbm>>
        tpu.wait_dma2 semaphore(%run_scoped3A : memref<!tpu.dma_semaphore, #tpu.memory_space<semaphore_mem>>) src(%dma_wait3A_40 : memref<16x128xf32, #tpu.memory_space<hbm>>) dst(%dma_wait3A_38 : memref<16x128xf32, #tpu.memory_space<vmem_shared>>)
        tpu.yield
      }) : () -> ()
    } else {
    }
    %eq3A_5 = arith.constant 0 : i32
    %eq3A_6 = arith.cmpi eq, %arg0, %eq3A_5 : i32
    %convert_element_type3A_7 = arith.extui %eq3A_6 : i1 to i32
    %cond3A_8 = arith.constant 0 : i32
    %cond3A_9 = arith.cmpi ne, %convert_element_type3A_7, %cond3A_8 : i32
    scf.if %cond3A_9 {
      "tpu.region"() ({
        %run_scoped3A = tpu.sem_alloc : memref<!tpu.dma_semaphore, #tpu.memory_space<semaphore_mem>>
        %dma_start3A = arith.constant 0 : i32
        %dma_start3A_29 = arith.constant 0 : i32
        %dma_start3A_30 = tpu.memref_slice %arg3[%arg1, %dma_start3A, %dma_start3A_29] : memref<16x79x128xi32, #tpu.memory_space<hbm>> -> memref<1x79x128xi32, #tpu.memory_space<hbm>>
        %dma_start3A_31 = tpu.memref_squeeze %dma_start3A_30 : memref<1x79x128xi32, #tpu.memory_space<hbm>> -> memref<79x128xi32, #tpu.memory_space<hbm>>
        %dma_start3A_32 = arith.constant 0 : i32
        %dma_start3A_33 = arith.constant 0 : i32
        %dma_start3A_34 = tpu.memref_slice %arg3[%arg1, %dma_start3A_32, %dma_start3A_33] : memref<16x79x128xi32, #tpu.memory_space<hbm>> -> memref<1x79x128xi32, #tpu.memory_space<hbm>>
        %dma_start3A_35 = tpu.memref_squeeze %dma_start3A_34 : memref<1x79x128xi32, #tpu.memory_space<hbm>> -> memref<79x128xi32, #tpu.memory_space<hbm>>
        tpu.enqueue_dma source(%dma_start3A_35 : memref<79x128xi32, #tpu.memory_space<hbm>>) target(%arg8 : memref<79x128xi32, #tpu.memory_space<vmem>>) target_semaphore(%run_scoped3A : memref<!tpu.dma_semaphore, #tpu.memory_space<semaphore_mem>>)
        %dma_wait3A = arith.constant 0 : i32
        %dma_wait3A_36 = arith.constant 0 : i32
        %dma_wait3A_37 = tpu.memref_slice %arg3[%arg1, %dma_wait3A, %dma_wait3A_36] : memref<16x79x128xi32, #tpu.memory_space<hbm>> -> memref<1x79x128xi32, #tpu.memory_space<hbm>>
        %dma_wait3A_38 = tpu.memref_squeeze %dma_wait3A_37 : memref<1x79x128xi32, #tpu.memory_space<hbm>> -> memref<79x128xi32, #tpu.memory_space<hbm>>
        %dma_wait3A_39 = arith.constant 0 : i32
        %dma_wait3A_40 = arith.constant 0 : i32
        %dma_wait3A_41 = tpu.memref_slice %arg3[%arg1, %dma_wait3A_39, %dma_wait3A_40] : memref<16x79x128xi32, #tpu.memory_space<hbm>> -> memref<1x79x128xi32, #tpu.memory_space<hbm>>
        %dma_wait3A_42 = tpu.memref_squeeze %dma_wait3A_41 : memref<1x79x128xi32, #tpu.memory_space<hbm>> -> memref<79x128xi32, #tpu.memory_space<hbm>>
        tpu.wait_dma2 semaphore(%run_scoped3A : memref<!tpu.dma_semaphore, #tpu.memory_space<semaphore_mem>>) src(%dma_wait3A_42 : memref<79x128xi32, #tpu.memory_space<hbm>>) dst(%arg8 : memref<79x128xi32, #tpu.memory_space<vmem>>)
        tpu.yield
      }) : () -> ()
    } else {
    }
    %eq3A_10 = arith.constant 1 : i32
    %eq3A_11 = arith.cmpi eq, %arg0, %eq3A_10 : i32
    %convert_element_type3A_12 = arith.extui %eq3A_11 : i1 to i32
    %cond3A_13 = arith.constant 0 : i32
    %cond3A_14 = arith.cmpi ne, %convert_element_type3A_12, %cond3A_13 : i32
    scf.if %cond3A_14 {
      "tpu.region"() ({
        %run_scoped3A = tpu.sem_alloc : memref<!tpu.dma_semaphore, #tpu.memory_space<semaphore_mem>>
        %dma_start3A = arith.constant 0 : i32
        %dma_start3A_29 = arith.constant 0 : i32
        %dma_start3A_30 = tpu.memref_slice %arg4[%arg1, %dma_start3A, %dma_start3A_29] : memref<16x79x128xi32, #tpu.memory_space<hbm>> -> memref<1x79x128xi32, #tpu.memory_space<hbm>>
        %dma_start3A_31 = tpu.memref_squeeze %dma_start3A_30 : memref<1x79x128xi32, #tpu.memory_space<hbm>> -> memref<79x128xi32, #tpu.memory_space<hbm>>
        %dma_start3A_32 = arith.constant 0 : i32
        %dma_start3A_33 = arith.constant 0 : i32
        %dma_start3A_34 = tpu.memref_slice %arg4[%arg1, %dma_start3A_32, %dma_start3A_33] : memref<16x79x128xi32, #tpu.memory_space<hbm>> -> memref<1x79x128xi32, #tpu.memory_space<hbm>>
        %dma_start3A_35 = tpu.memref_squeeze %dma_start3A_34 : memref<1x79x128xi32, #tpu.memory_space<hbm>> -> memref<79x128xi32, #tpu.memory_space<hbm>>
        tpu.enqueue_dma source(%dma_start3A_35 : memref<79x128xi32, #tpu.memory_space<hbm>>) target(%arg8 : memref<79x128xi32, #tpu.memory_space<vmem>>) target_semaphore(%run_scoped3A : memref<!tpu.dma_semaphore, #tpu.memory_space<semaphore_mem>>)
        %dma_wait3A = arith.constant 0 : i32
        %dma_wait3A_36 = arith.constant 0 : i32
        %dma_wait3A_37 = tpu.memref_slice %arg4[%arg1, %dma_wait3A, %dma_wait3A_36] : memref<16x79x128xi32, #tpu.memory_space<hbm>> -> memref<1x79x128xi32, #tpu.memory_space<hbm>>
        %dma_wait3A_38 = tpu.memref_squeeze %dma_wait3A_37 : memref<1x79x128xi32, #tpu.memory_space<hbm>> -> memref<79x128xi32, #tpu.memory_space<hbm>>
        %dma_wait3A_39 = arith.constant 0 : i32
        %dma_wait3A_40 = arith.constant 0 : i32
        %dma_wait3A_41 = tpu.memref_slice %arg4[%arg1, %dma_wait3A_39, %dma_wait3A_40] : memref<16x79x128xi32, #tpu.memory_space<hbm>> -> memref<1x79x128xi32, #tpu.memory_space<hbm>>
        %dma_wait3A_42 = tpu.memref_squeeze %dma_wait3A_41 : memref<1x79x128xi32, #tpu.memory_space<hbm>> -> memref<79x128xi32, #tpu.memory_space<hbm>>
        tpu.wait_dma2 semaphore(%run_scoped3A : memref<!tpu.dma_semaphore, #tpu.memory_space<semaphore_mem>>) src(%dma_wait3A_42 : memref<79x128xi32, #tpu.memory_space<hbm>>) dst(%arg8 : memref<79x128xi32, #tpu.memory_space<vmem>>)
        tpu.yield
      }) : () -> ()
    } else {
    }
    "tpu.region"() ({
      %run_scoped3A = tpu.sem_alloc : memref<!tpu.dma_semaphore, #tpu.memory_space<semaphore_mem>>
      %dma_start3A = arith.constant 0 : i32
      %dma_start3A_29 = arith.constant 0 : i32
      %dma_start3A_30 = tpu.memref_slice %arg5[%arg1, %dma_start3A, %dma_start3A_29] : memref<16x79x128xi32, #tpu.memory_space<hbm>> -> memref<1x79x128xi32, #tpu.memory_space<hbm>>
      %dma_start3A_31 = tpu.memref_squeeze %dma_start3A_30 : memref<1x79x128xi32, #tpu.memory_space<hbm>> -> memref<79x128xi32, #tpu.memory_space<hbm>>
      %dma_start3A_32 = arith.constant 0 : i32
      %dma_start3A_33 = arith.constant 0 : i32
      %dma_start3A_34 = tpu.memref_slice %arg5[%arg1, %dma_start3A_32, %dma_start3A_33] : memref<16x79x128xi32, #tpu.memory_space<hbm>> -> memref<1x79x128xi32, #tpu.memory_space<hbm>>
      %dma_start3A_35 = tpu.memref_squeeze %dma_start3A_34 : memref<1x79x128xi32, #tpu.memory_space<hbm>> -> memref<79x128xi32, #tpu.memory_space<hbm>>
      tpu.enqueue_dma source(%dma_start3A_35 : memref<79x128xi32, #tpu.memory_space<hbm>>) target(%arg9 : memref<79x128xi32, #tpu.memory_space<vmem>>) target_semaphore(%run_scoped3A : memref<!tpu.dma_semaphore, #tpu.memory_space<semaphore_mem>>)
      %dma_wait3A = arith.constant 0 : i32
      %dma_wait3A_36 = arith.constant 0 : i32
      %dma_wait3A_37 = tpu.memref_slice %arg5[%arg1, %dma_wait3A, %dma_wait3A_36] : memref<16x79x128xi32, #tpu.memory_space<hbm>> -> memref<1x79x128xi32, #tpu.memory_space<hbm>>
      %dma_wait3A_38 = tpu.memref_squeeze %dma_wait3A_37 : memref<1x79x128xi32, #tpu.memory_space<hbm>> -> memref<79x128xi32, #tpu.memory_space<hbm>>
      %dma_wait3A_39 = arith.constant 0 : i32
      %dma_wait3A_40 = arith.constant 0 : i32
      %dma_wait3A_41 = tpu.memref_slice %arg5[%arg1, %dma_wait3A_39, %dma_wait3A_40] : memref<16x79x128xi32, #tpu.memory_space<hbm>> -> memref<1x79x128xi32, #tpu.memory_space<hbm>>
      %dma_wait3A_42 = tpu.memref_squeeze %dma_wait3A_41 : memref<1x79x128xi32, #tpu.memory_space<hbm>> -> memref<79x128xi32, #tpu.memory_space<hbm>>
      tpu.wait_dma2 semaphore(%run_scoped3A : memref<!tpu.dma_semaphore, #tpu.memory_space<semaphore_mem>>) src(%dma_wait3A_42 : memref<79x128xi32, #tpu.memory_space<hbm>>) dst(%arg9 : memref<79x128xi32, #tpu.memory_space<vmem>>)
      tpu.yield
    }) : () -> ()
    %barrier3A = arith.constant 0 : index
    tpu.barrier barrier_id(%barrier3A)
    %scan3A = arith.constant 0 : i32
    %scan3A_15 = arith.constant 0 : i32
    %scan3A_16 = arith.constant 79 : i32
    %scan3A_17 = arith.addi %scan3A_15, %scan3A_16 : i32
    %scan3A_18 = arith.constant 1 : i32
    scf.for %scan3A_29 = %scan3A_15 to %scan3A_17 step %scan3A_18  : i32 {
      %dma_start3A = arith.constant 0 : i32
      %dma_start3A_30 = tpu.memref_slice %arg8[%scan3A_29, %dma_start3A] : memref<79x128xi32, #tpu.memory_space<vmem>> -> memref<1x128xi32, #tpu.memory_space<vmem>>
      %dma_start3A_31 = tpu.memref_squeeze %dma_start3A_30 : memref<1x128xi32, #tpu.memory_space<vmem>> -> memref<128xi32, #tpu.memory_space<vmem>>
      %dma_start3A_32 = arith.constant 0 : i32
      %dma_start3A_33 = arith.constant 0 : i32
      %dma_start3A_34 = tpu.memref_slice %arg2[%dma_start3A_32, %dma_start3A_33] : memref<20000x128xf32, #tpu.memory_space<hbm>> -> memref<20000x128xf32, #tpu.memory_space<hbm>>
      tpu.enqueue_indirect_dma source(%dma_start3A_34 : memref<20000x128xf32, #tpu.memory_space<hbm>>) target(%arg10 : memref<128x128xf32, #tpu.memory_space<vmem>>) offsets(%dma_start3A_31 : memref<128xi32, #tpu.memory_space<vmem>>) semaphore(%arg11 : memref<!tpu.dma_semaphore, #tpu.memory_space<semaphore_mem>>)
      %dma_wait3A = arith.constant 0 : i32
      %dma_wait3A_35 = tpu.memref_slice %arg8[%scan3A_29, %dma_wait3A] : memref<79x128xi32, #tpu.memory_space<vmem>> -> memref<1x128xi32, #tpu.memory_space<vmem>>
      %dma_wait3A_36 = tpu.memref_squeeze %dma_wait3A_35 : memref<1x128xi32, #tpu.memory_space<vmem>> -> memref<128xi32, #tpu.memory_space<vmem>>
      %dma_wait3A_37 = arith.constant 0 : i32
      %dma_wait3A_38 = arith.constant 0 : i32
      %dma_wait3A_39 = tpu.memref_slice %arg2[%dma_wait3A_37, %dma_wait3A_38] : memref<20000x128xf32, #tpu.memory_space<hbm>> -> memref<20000x128xf32, #tpu.memory_space<hbm>>
      tpu.wait_indirect_dma semaphore(%arg11 : memref<!tpu.dma_semaphore, #tpu.memory_space<semaphore_mem>>) src(%dma_wait3A_39 : memref<20000x128xf32, #tpu.memory_space<hbm>>) dst(%arg10 : memref<128x128xf32, #tpu.memory_space<vmem>>)
      "tpu.region"() ({
        %run_scoped3A = tpu.sem_alloc : memref<!tpu.dma_semaphore, #tpu.memory_space<semaphore_mem>>
        %dma_start3A_40 = arith.constant 0 : i32
        %dma_start3A_41 = tpu.memref_slice %arg9[%scan3A_29, %dma_start3A_40] : memref<79x128xi32, #tpu.memory_space<vmem>> -> memref<1x128xi32, #tpu.memory_space<vmem>>
        %dma_start3A_42 = tpu.memref_squeeze %dma_start3A_41 : memref<1x128xi32, #tpu.memory_space<vmem>> -> memref<128xi32, #tpu.memory_space<vmem>>
        %dma_start3A_43 = arith.constant 0 : i32
        %dma_start3A_44 = arith.constant 0 : i32
        %dma_start3A_45 = tpu.memref_slice %arg7[%dma_start3A_43, %dma_start3A_44] : memref<10008x128xf32, #tpu.memory_space<vmem_shared>> -> memref<10008x128xf32, #tpu.memory_space<vmem_shared>>
        tpu.enqueue_indirect_dma source(%arg10 : memref<128x128xf32, #tpu.memory_space<vmem>>) target(%dma_start3A_45 : memref<10008x128xf32, #tpu.memory_space<vmem_shared>>) offsets(%dma_start3A_42 : memref<128xi32, #tpu.memory_space<vmem>>) semaphore(%run_scoped3A : memref<!tpu.dma_semaphore, #tpu.memory_space<semaphore_mem>>) {add = true}
        %dma_wait3A_46 = arith.constant 0 : i32
        %dma_wait3A_47 = tpu.memref_slice %arg9[%scan3A_29, %dma_wait3A_46] : memref<79x128xi32, #tpu.memory_space<vmem>> -> memref<1x128xi32, #tpu.memory_space<vmem>>
        %dma_wait3A_48 = tpu.memref_squeeze %dma_wait3A_47 : memref<1x128xi32, #tpu.memory_space<vmem>> -> memref<128xi32, #tpu.memory_space<vmem>>
        %dma_wait3A_49 = arith.constant 0 : i32
        %dma_wait3A_50 = arith.constant 0 : i32
        %dma_wait3A_51 = tpu.memref_slice %arg7[%dma_wait3A_49, %dma_wait3A_50] : memref<10008x128xf32, #tpu.memory_space<vmem_shared>> -> memref<10008x128xf32, #tpu.memory_space<vmem_shared>>
        tpu.wait_indirect_dma semaphore(%run_scoped3A : memref<!tpu.dma_semaphore, #tpu.memory_space<semaphore_mem>>) src(%arg10 : memref<128x128xf32, #tpu.memory_space<vmem>>) dst(%dma_wait3A_51 : memref<10008x128xf32, #tpu.memory_space<vmem_shared>>)
        tpu.yield
      }) : () -> ()
    }
    %scan3A_19 = arith.constant 79 : i32
    %barrier3A_20 = arith.constant 0 : index
    tpu.barrier barrier_id(%barrier3A_20)
    %mul3A_21 = arith.constant 10000 : i32
    %mul3A_22 = arith.muli %arg0, %mul3A_21 : i32
    %add3A_23 = arith.addi %mul3A_22, %mul3A_0 : i32
    "tpu.region"() ({
      %run_scoped3A = tpu.sem_alloc : memref<!tpu.dma_semaphore, #tpu.memory_space<semaphore_mem>>
      %dma_start3A = arith.constant 0 : i32
      %dma_start3A_29 = tpu.memref_slice %arg6[%add3A_23, %dma_start3A] : memref<20000x128xf32, #tpu.memory_space<hbm>> -> memref<624x128xf32, #tpu.memory_space<hbm>>
      %dma_start3A_30 = arith.constant 0 : i32
      %dma_start3A_31 = tpu.memref_slice %arg7[%mul3A_0, %dma_start3A_30] : memref<10008x128xf32, #tpu.memory_space<vmem_shared>> -> memref<624x128xf32, #tpu.memory_space<vmem_shared>>
      tpu.enqueue_dma source(%dma_start3A_31 : memref<624x128xf32, #tpu.memory_space<vmem_shared>>) target(%dma_start3A_29 : memref<624x128xf32, #tpu.memory_space<hbm>>) target_semaphore(%run_scoped3A : memref<!tpu.dma_semaphore, #tpu.memory_space<semaphore_mem>>)
      %dma_wait3A = arith.constant 0 : i32
      %dma_wait3A_32 = tpu.memref_slice %arg6[%add3A_23, %dma_wait3A] : memref<20000x128xf32, #tpu.memory_space<hbm>> -> memref<624x128xf32, #tpu.memory_space<hbm>>
      %dma_wait3A_33 = arith.constant 0 : i32
      %dma_wait3A_34 = tpu.memref_slice %arg7[%mul3A_0, %dma_wait3A_33] : memref<10008x128xf32, #tpu.memory_space<vmem_shared>> -> memref<624x128xf32, #tpu.memory_space<vmem_shared>>
      tpu.wait_dma2 semaphore(%run_scoped3A : memref<!tpu.dma_semaphore, #tpu.memory_space<semaphore_mem>>) src(%dma_wait3A_34 : memref<624x128xf32, #tpu.memory_space<vmem_shared>>) dst(%dma_wait3A_32 : memref<624x128xf32, #tpu.memory_space<hbm>>)
      tpu.yield
    }) : () -> ()
    %eq3A_24 = arith.constant 15 : i32
    %eq3A_25 = arith.cmpi eq, %arg1, %eq3A_24 : i32
    %convert_element_type3A_26 = arith.extui %eq3A_25 : i1 to i32
    %cond3A_27 = arith.constant 0 : i32
    %cond3A_28 = arith.cmpi ne, %convert_element_type3A_26, %cond3A_27 : i32
    scf.if %cond3A_28 {
      %mul3A_29 = arith.constant 10000 : i32
      %mul3A_30 = arith.muli %arg0, %mul3A_29 : i32
      %add3A_31 = arith.constant 9984 : i32
      %add3A_32 = arith.addi %mul3A_30, %add3A_31 : i32
      "tpu.region"() ({
        %run_scoped3A = tpu.sem_alloc : memref<!tpu.dma_semaphore, #tpu.memory_space<semaphore_mem>>
        %dma_start3A = arith.constant 0 : i32
        %dma_start3A_33 = tpu.memref_slice %arg6[%add3A_32, %dma_start3A] : memref<20000x128xf32, #tpu.memory_space<hbm>> -> memref<16x128xf32, #tpu.memory_space<hbm>>
        %dma_start3A_34 = arith.constant 9984 : i32
        %dma_start3A_35 = arith.constant 0 : i32
        %dma_start3A_36 = tpu.memref_slice %arg7[%dma_start3A_34, %dma_start3A_35] : memref<10008x128xf32, #tpu.memory_space<vmem_shared>> -> memref<16x128xf32, #tpu.memory_space<vmem_shared>>
        tpu.enqueue_dma source(%dma_start3A_36 : memref<16x128xf32, #tpu.memory_space<vmem_shared>>) target(%dma_start3A_33 : memref<16x128xf32, #tpu.memory_space<hbm>>) target_semaphore(%run_scoped3A : memref<!tpu.dma_semaphore, #tpu.memory_space<semaphore_mem>>)
        %dma_wait3A = arith.constant 0 : i32
        %dma_wait3A_37 = tpu.memref_slice %arg6[%add3A_32, %dma_wait3A] : memref<20000x128xf32, #tpu.memory_space<hbm>> -> memref<16x128xf32, #tpu.memory_space<hbm>>
        %dma_wait3A_38 = arith.constant 9984 : i32
        %dma_wait3A_39 = arith.constant 0 : i32
        %dma_wait3A_40 = tpu.memref_slice %arg7[%dma_wait3A_38, %dma_wait3A_39] : memref<10008x128xf32, #tpu.memory_space<vmem_shared>> -> memref<16x128xf32, #tpu.memory_space<vmem_shared>>
        tpu.wait_dma2 semaphore(%run_scoped3A : memref<!tpu.dma_semaphore, #tpu.memory_space<semaphore_mem>>) src(%dma_wait3A_40 : memref<16x128xf32, #tpu.memory_space<vmem_shared>>) dst(%dma_wait3A_37 : memref<16x128xf32, #tpu.memory_space<hbm>>)
        tpu.yield
      }) : () -> ()
    } else {
    }
    return
  }
}

module attributes {stable_mosaic.version = 14 : i64} {
  func.func @body(%arg0: i32, %arg1: memref<1000x128xf32, #tpu.memory_space<vmem>>, %arg2: memref<1000x128xf32, #tpu.memory_space<vmem>>, %arg3: memref<256x256xf32, #tpu.memory_space<vmem>>, %arg4: memref<1x256xf32, #tpu.memory_space<vmem>>, %arg5: memref<1000x256xf32, #tpu.memory_space<vmem>>) attributes {dimension_semantics = [#tpu.dimension_semantics<arbitrary>], iteration_bounds = array<i64: 10>, scalar_prefetch = 0 : i64, scratch_operands = 0 : i64, tpu.core_type = #tpu.core_type<tc>, window_params = [{transform_indices = @transform_0, window_bounds = array<i64: 1000, 128>}, {transform_indices = @transform_1, window_bounds = array<i64: 1000, 128>}, {pipeline_mode = #tpu.pipeline_mode<synchronous>, transform_indices = @transform_2, window_bounds = array<i64: 256, 256>}, {pipeline_mode = #tpu.pipeline_mode<synchronous>, transform_indices = @transform_3, window_bounds = array<i64: 1, 256>}, {transform_indices = @transform_4, window_bounds = array<i64: 1000, 256>}]} {
    %get3A = arith.constant 0 : index
    %get3A_0 = arith.constant 0 : index
    %get3A_1 = vector.load %arg3[%get3A, %get3A_0] : memref<256x256xf32, #tpu.memory_space<vmem>>, vector<256x256xf32>
    %get3A_2 = arith.constant 0 : index
    %get3A_3 = arith.constant 0 : index
    %get3A_4 = vector.load %arg1[%get3A_2, %get3A_3] : memref<1000x128xf32, #tpu.memory_space<vmem>>, vector<1000x128xf32>
    %slice3A = vector.extract_strided_slice %get3A_1 {offsets = [0, 0], sizes = [256, 128], strides = [1, 1]} : vector<256x256xf32> to vector<256x128xf32>
    %dot_general3A = arith.constant dense<0.000000e+00> : vector<1000x256xf32>
    %dot_general3A_5 = tpu.matmul %get3A_4, %slice3A, %dot_general3A {dimension_numbers = #tpu.dot_dimension_numbers<[1], [1], [0], [0], [0, 0, 1, 0], [], []>, transpose_lhs_hint = false} : vector<1000x128xf32>, vector<256x128xf32>, vector<1000x256xf32> -> vector<1000x256xf32>
    %get3A_6 = arith.constant 0 : index
    %get3A_7 = arith.constant 0 : index
    %get3A_8 = vector.load %arg2[%get3A_6, %get3A_7] : memref<1000x128xf32, #tpu.memory_space<vmem>>, vector<1000x128xf32>
    %slice3A_9 = vector.extract_strided_slice %get3A_1 {offsets = [0, 128], sizes = [256, 128], strides = [1, 1]} : vector<256x256xf32> to vector<256x128xf32>
    %dot_general3A_10 = arith.constant dense<0.000000e+00> : vector<1000x256xf32>
    %dot_general3A_11 = tpu.matmul %get3A_8, %slice3A_9, %dot_general3A_10 {dimension_numbers = #tpu.dot_dimension_numbers<[1], [1], [0], [0], [0, 0, 1, 0], [], []>, transpose_lhs_hint = false} : vector<1000x128xf32>, vector<256x128xf32>, vector<1000x256xf32> -> vector<1000x256xf32>
    %add3A = arith.addf %dot_general3A_5, %dot_general3A_11 : vector<1000x256xf32>
    %get3A_12 = arith.constant 0 : index
    %get3A_13 = arith.constant 0 : index
    %get3A_14 = vector.load %arg4[%get3A_12, %get3A_13] : memref<1x256xf32, #tpu.memory_space<vmem>>, vector<1x256xf32>
    %add3A_15 = vector.broadcast %get3A_14 : vector<1x256xf32> to vector<1000x256xf32>
    %add3A_16 = arith.addf %add3A, %add3A_15 : vector<1000x256xf32>
    %swap3A = arith.constant 0 : index
    %swap3A_17 = arith.constant 0 : index
    %swap3A_18 = vector.load %arg5[%swap3A, %swap3A_17] : memref<1000x256xf32, #tpu.memory_space<vmem>>, vector<1000x256xf32>
    tpu.vector_store %arg5[%swap3A, %swap3A_17], %add3A_16 {strides = array<i32>} : memref<1000x256xf32, #tpu.memory_space<vmem>>, vector<1000x256xf32>,
    return
  }
  func.func @transform_0(%arg0: i32) -> (i32, i32) {
    %c0_i32 = arith.constant 0 : i32
    %c0_i32_0 = arith.constant 0 : i32
    return %arg0, %c0_i32 : i32, i32
  }
  func.func @transform_1(%arg0: i32) -> (i32, i32) {
    %add3A = arith.constant 10 : i32
    %add3A_0 = arith.addi %arg0, %add3A : i32
    %c0_i32 = arith.constant 0 : i32
    %c0_i32_1 = arith.constant 0 : i32
    return %add3A_0, %c0_i32 : i32, i32
  }
  func.func @transform_2(%arg0: i32) -> (i32, i32) {
    %c0_i32 = arith.constant 0 : i32
    %c0_i32_0 = arith.constant 0 : i32
    %c0_i32_1 = arith.constant 0 : i32
    return %c0_i32, %c0_i32_0 : i32, i32
  }
  func.func @transform_3(%arg0: i32) -> (i32, i32) {
    %c0_i32 = arith.constant 0 : i32
    %c0_i32_0 = arith.constant 0 : i32
    %c0_i32_1 = arith.constant 0 : i32
    return %c0_i32, %c0_i32_0 : i32, i32
  }
  func.func @transform_4(%arg0: i32) -> (i32, i32) {
    %c0_i32 = arith.constant 0 : i32
    %c0_i32_0 = arith.constant 0 : i32
    return %arg0, %c0_i32 : i32, i32
  }
}

</mosaic_0001>

<sc_bundles>
// kernel: kernel.4.cloned.1.call-start
scs
__scs_entry_jumppad:
0x0: {  	(pc) =	sbr.rel $0x88, $3  }
0x1: {  	(tag) =	ssettag $0x0;
	lr =	simm.s32 $0x1  }
0x2: {  	[smem:$0x3F9D] =	sst lr;
	_ =	strace $0xD0000000  }
0x3: {  	_ = 	snop  }
0x4: {  	_ = 	snop  }
0x5: {  	_ = 	snop  }
0x6: {  	_ = 	snop  }
0x7: {  	_ = 	snop  }
__scs_overlays_trampoline_lowered:
0x8: {  	[smem:$0x3FAC] =	sst s0  }
0x9: {  	[smem:$0x3FAD] =	sst s1  }
0xa: {  	[smem:$0x3FAE] =	sst s2  }
0xb: {  	[smem:$0x3FAF] =	sst s3  }
0xc: {  	[smem:$0x3FB0] =	sst s4  }
0xd: {  	[smem:$0x3FB1] =	sst s5  }
0xe: {  	[smem:$0x3FB2] =	sst s6  }
0xf: {  	[smem:$0x3FB3] =	sst s7  }
0x10: {  	[smem:$0x3FB4] =	sst s8  }
0x11: {  	[smem:$0x3FB5] =	sst s9;
	s0 =	simm.s32 @!p0 $0x0  }
0x12: {  	s1 =	sld [smem:$0x3F9B];
	s0 =	simm.s32 @p0 $0x1  }
0x13: {  	[smem:$0x3FB6] =	sst s0;
	s0 =	simm.s32 @!p1 $0x0  }
0x14: {  	s2 =	sld [smem:$0x3F9A];
	s0 =	simm.s32 @p1 $0x1  }
0x15: {  	[smem:$0x3FB7] =	sst s0;
	s0 =	simm.s32 @!p2 $0x0  }
0x16: {  	s3 =	sld [smem:$0x3FDB];
	s0 =	simm.s32 @p2 $0x1  }
0x17: {  	s4 =	simm.s32 $0x1BF5;
	[smem:$0x3FB9] =	sst s0  }
0x18: {  	s0 =	sld [smem:$0x3F9C];
	_ =	swait.ge [sflag:s4], $0x0  }
0x19: {  	s7 =	sld [smem:$0x3F9D]  }
0x1a: {  	s8 =	sadd.s32 $0xFFFFE003, lr  }
0x1b: {  	s9 =	sadd.s32 $0xFFFFFEF7, lr;
	s5 =	simm.s32 $0xFFFFFFFF;
	p2 =	slt.u32 s8, $0xFFFFF086  }
0x1c: {  	p1 =	slt.u32 s9, $0xF7A;
	s5 =	simm.s32 @!p2 $0x0  }
0x1d: {  	s5 =	simm.s32 @p1 $0x1;
	p0 =	seq.s32 s7, s2  }
0x1e: {  	s7 =	smul.u32 @!p0 $0xF7A, s2;
	p2 =	seq.s32 @!p0 s5, $0x0  }
0x1f: {  	s9 =	smul.u32 $0xF7A, s1;
	s8 =	simm.s32 @!p0 $0x1BF5;
	p2 =	por !p2, p0  }
0x20: {  	[sflag:s8] =	ssyncset.s32 @!p0 $0xFFFFF086;
	s6 =	sadd.s32 @!p0 s3, s7;
	s7 =	simm.s32 @!p0 $0x108  }
0x21: {  	s3 =	sadd.s32 s3, s9;
	s6 =	sadd.s32 @!p0 $0x88, s6;
	s7 =	simm.s32 @p2 $0x1082  }
0x22: {  	[simem:s7], [sflag:s8] =	dma.local @!p0 [hbm:s6], $0xF7A  }
0x23: {  	s9 =	sor.u32 $0xD0000000, s2;
	s6 =	simm.s32 $0x108;
	_ =	swait.ge @!p0 [sflag:s8], $0x0  }
0x24: {  	s3 =	sadd.s32 $0x88, s3;
	s6 =	simm.s32 @!p1 $0x1082;
	[sflag:s4] =	ssyncset.s32 $0xFFFFF086  }
0x25: {  	[simem:s6], [sflag:s4] =	dma.local [hbm:s3], $0xF7A  }
0x26: {  	[smem:$0x3F9D] =	sst s1;
	(tag) =	ssettag s2;
	_ =	strace s9  }
0x27: {  	s1 =	sld [smem:$0x3FAD]  }
0x28: {  	s2 =	sld [smem:$0x3FAE]  }
0x29: {  	s4 =	sld [smem:$0x3FB0]  }
0x2a: {  	p0 =	seq.s32 s5, $0x0;
	s5 =	sld [smem:$0x3FB1]  }
0x2b: {  	s6 =	sld [smem:$0x3FB2]  }
0x2c: {  	s7 =	sld [smem:$0x3FB3]  }
0x2d: {  	s3 =	simm.s32 $0x108;
	s8 =	sld [smem:$0x3FB4]  }
0x2e: {  	s3 =	simm.s32 @!p0 $0x1082;
	s9 =	sld [smem:$0x3FB5]  }
0x2f: {  	lr =	sadd.s32 s0, s3;
	s0 =	sld [smem:$0x3FAC]  }
0x30: {  	s3 =	sld [smem:$0x3FAF]  }
0x31: {  	[smem:$0x3FB8] =	sst s10  }
0x32: {  	s10 =	sld [smem:$0x3FB6];
	_ =	sdelay $0x3  }
0x33: {  	p0 =	seq.s32 s10, $0x1;
	s10 =	sld [smem:$0x3FB8];
	_ =	sdelay $0x3  }
0x34: {  	[smem:$0x3FB8] =	sst s10  }
0x35: {  	s10 =	sld [smem:$0x3FB7];
	_ =	sdelay $0x3  }
0x36: {  	p1 =	seq.s32 s10, $0x1;
	s10 =	sld [smem:$0x3FB8];
	_ =	sdelay $0x3  }
0x37: {  	[smem:$0x3FB8] =	sst s10  }
0x38: {  	s10 =	sld [smem:$0x3FB9]  }
0x39: {  	_ = 	snop;
	(pc) =	sbr.ind lr, $3  }
0x3a: {  	_ = 	snop  }
0x3b: {  	_ = 	snop  }
0x3c: {  	p2 =	seq.s32 s10, $0x1;
	s10 =	sld [smem:$0x3FB8]  }
0x3d: {  	_ =	shalt  }
0x3e: {  	_ =	shalt  }
0x3f: {  	_ =	shalt  }
0x40: {  	_ =	shalt  }
0x41: {  	_ =	shalt  }
0x42: {  	_ =	shalt  }
0x43: {  	_ =	shalt  }
0x44: {  	_ =	shalt  }
0x45: {  	_ =	shalt  }
0x46: {  	_ =	shalt  }
0x47: {  	_ =	shalt  }
0x48: {  	_ =	shalt  }
0x49: {  	_ =	shalt  }
0x4a: {  	_ =	shalt  }
0x4b: {  	_ =	shalt  }
0x4c: {  	_ =	shalt  }
0x4d: {  	_ =	shalt  }
0x4e: {  	_ =	shalt  }
0x4f: {  	_ =	shalt  }
0x50: {  	_ =	shalt  }
0x51: {  	_ =	shalt  }
0x52: {  	_ =	shalt  }
0x53: {  	_ =	shalt  }
0x54: {  	_ =	shalt  }
0x55: {  	_ =	shalt  }
0x56: {  	_ =	shalt  }
0x57: {  	_ =	shalt  }
0x58: {  	_ =	shalt  }
0x59: {  	_ =	shalt  }
0x5a: {  	_ =	shalt  }
0x5b: {  	_ =	shalt  }
0x5c: {  	_ =	shalt  }
0x5d: {  	_ =	shalt  }
0x5e: {  	_ =	shalt  }
0x5f: {  	_ =	shalt  }
0x60: {  	_ =	shalt  }
0x61: {  	_ =	shalt  }
0x62: {  	_ =	shalt  }
0x63: {  	_ =	shalt  }
0x64: {  	_ =	shalt  }
0x65: {  	_ =	shalt  }
0x66: {  	_ =	shalt  }
0x67: {  	_ =	shalt  }
0x68: {  	_ =	shalt  }
0x69: {  	_ =	shalt  }
0x6a: {  	_ =	shalt  }
0x6b: {  	_ =	shalt  }
0x6c: {  	_ =	shalt  }
0x6d: {  	_ =	shalt  }
0x6e: {  	_ =	shalt  }
0x6f: {  	_ =	shalt  }
0x70: {  	_ =	shalt  }
0x71: {  	_ =	shalt  }
0x72: {  	_ =	shalt  }
0x73: {  	_ =	shalt  }
0x74: {  	_ =	shalt  }
0x75: {  	_ =	shalt  }
0x76: {  	_ =	shalt  }
0x77: {  	_ =	shalt  }
0x78: {  	_ =	shalt  }
0x79: {  	_ =	shalt  }
0x7a: {  	_ =	shalt  }
0x7b: {  	_ =	shalt  }
0x7c: {  	_ =	shalt  }
0x7d: {  	_ =	shalt  }
0x7e: {  	_ =	shalt  }
0x7f: {  	_ =	shalt  }
0x80: {  	_ =	shalt  }
0x81: {  	_ =	shalt  }
0x82: {  	_ =	shalt  }
0x83: {  	_ =	shalt  }
0x84: {  	_ =	shalt  }
0x85: {  	_ =	shalt  }
0x86: {  	_ =	shalt  }
0x87: {  	_ =	shalt  }
.Lfunc_end0:
.L_simem_size_0:
called_computation_lowered:
.L_overlay_start_0:
0x88: {  	s2 =	sld [smem:$0x3FD9]  }
0x89: {  	s3 =	sld [smem:$0x3FFE];
	_ =	sdelay $0x1  }
0x8a: {  	s1 =	srdreg.scid  }
0x8b: {  	s0 =	sand.u32 $0x1, s1  }
0x8c: {  	s17 =	sshll.u32 s0, $0xA;
	s2 =	sadd.s32 s3, s2  }
0x8d: {  	s2 =	sadd.s32 s2, s17  }
0x8e: {  	[smem:$0x3FC4] =	sst s2  }
0x8f: {  	_ = 	snop  }
0x90: {  	s2 =	sld [smem:$0x3FD0];
	(tm) =	ssettm $0x1  }
0x91: {  	s18 =	sld [smem:$0x3FFB];
	_ =	sdelay $0x3  }
0x92: {  	_ =	strace s18  }
0x93: {  	s3 =	sld [smem:$0x3FFC];
	_ =	sdelay $0x3  }
0x94: {  	_ =	strace s3  }
0x95: {  	s3 =	sld [smem:$0x3FFD];
	_ =	sdelay $0x3  }
0x96: {  	_ =	strace s3  }
0x97: {  	_ =	strace $0x8FFFFFFF  }
0x98: {  	s19 =	sld [smem:$0x3FDB];
	_ =	sdelay $0x1  }
0x99: {  	s4 =	simm.s32 $_scs_section_size  }
0x9a: {  	s5 =	simm.s32 $_size__tile_overlayer_lowered;
	s6 =	simm.s32 $_tile_overlayer_lowered  }
0x9b: {  	s22 =	simm.s32 $0x1BFF;
	s21 =	sshll.u32 s6, $0x1;
	s3 =	sadd.s32 s4, s19  }
0x9c: {  	s7 =	simm.s32 $0x0;
	s20 =	sshll.u32 s5, $0x1;
	s5 =	sadd.s32 s21, s3  }
0x9d: {  	[timem:s7], [sflag:s22] =	dma.local [hbm:s5], s20  }
0x9e: {  	_ =	swait.ge [sflag:s22], s20  }
0x9f: {  	s4 =	ssub.s32 $0x0, s20;
	[sflag:s22] =	ssyncset.done $0x0  }
0xa0: {  	[sflag:s22] =	ssyncadd.s32 s4;
	_ =	sdelay $0x1  }
0xa1: {  	s23 =	simm.s32 $0x1B8B  }
0xa2: {  	_ =	swait.ge [sflag:s23], $0x1  }
0xa3: {  	[sflag:s23] =	ssyncset.done $0x0  }
0xa4: {  	s25 =	simm.s32 $0x1B8E;
	s24 =	sld [smem:$0x3FFE];
	[sflag:s23] =	ssyncadd.s32 $0xFFFFFFFF  }
0xa5: {  	s26 =	simm.s32 $execute0_lowered;
	[smem:$0x3FD2] =	sst s25  }
0xa6: {  	s5 =	sshll.u32 s26, $0x1;
	_ =	strace $0x80000046;
	[dreg:$0x1] =	wrdreg $0xFFFFFFFF  }
0xa7: {  	s28 =	simm.s32 $_size_execute0_lowered;
	s3 =	sadd.s32 s3, s5;
	[dreg:$0x0] =	wrdreg $0x0  }
0xa8: {  	s5 =	sshll.u32 s28, $0x1;
	[dreg:$0x2] =	wrdreg s3  }
0xa9: {  	[dreg:$0x3] =	wrdreg s5  }
0xaa: {  	[dreg:$0x4] =	wrdreg $0xC0  }
0xab: {  	_ =	task [dreg:s7], $0x5FFFF  }
0xac: {  	[dreg:$0x1] =	wrdreg $0xFFFFFFFF  }
0xad: {  	[dreg:$0x0] =	wrdreg $0x60  }
0xae: {  	[dreg:$0x2] =	wrdreg s2  }
0xaf: {  	[dreg:$0x3] =	wrdreg s24  }
0xb0: {  	[dreg:$0x4] =	wrdreg $0x0  }
0xb1: {  	[dreg:$0x5] =	wrdreg $0x9  }
0xb2: {  	_ =	task.clear_ibuf [dreg:s7], $0x6FFFF;
	_ =	strace $0x90000046  }
0xb3: {  	s29 =	simm.s32 $0x9;
	_ =	strace $0x80000048  }
0xb4: {  	_ =	swait.ge [sflag:s29], $0x1  }
0xb5: {  	[sflag:s29] =	ssyncadd.s32 $0xFFFFFFFF  }
0xb6: {  	_ =	strace $0x90000048  }
0xb7: {  	_ =	sfence  }
0xb8: {  	s30 =	sld [smem:$0x0];
	_ =	sdelay $0x2  }
0xb9: {  	s31 =	sshll.u32 s1, $0xD;
	s1 =	sshrl.u32 s1, $0x2  }
0xba: {  	s3 =	sand.u32 $0x4000, s31;
	s1 =	sadd.s32 s1, s30  }
0xbb: {  	s0 =	sor.u32 s3, s0;
	s1 =	sshll.u32 s1, $0x11  }
0xbc: {  	s0 =	sor.u32 s1, s0  }
0xbd: {  	s0 =	sadd.s32 $0x8F2B, s0  }
0xbe: {  	[sflag:s0] =	ssyncadd.remote.s32 $0x1  }
0xbf: {  	_ =	sfence.sel $0xFFFF  }
0xc0: {  	[dreg:$0x0] =	wrdreg $0xFFFFFFFF;
	(pc) =	sbr.abs _section_cstart, $3  }
0xc1: {  	[dreg:$0x1] =	wrdreg $0xFFFFFFFF  }
0xc2: {  	_ =	task.clear_ibuf [dreg:s7], $0x2FFFF;
	_ =	strace $0x9FFFFFFF  }
0xc3: {  	(tm) =	ssettm $0x7FFFFFFF  }
tec
execute0_lowered:
.L_overlay_start_1:
0x0: {  	(tag) =	ssettag $0x1  }
0x1: {  	s2 =	rddreg [dreg:$0x0]  }
0x2: {  	s5 =	rddreg [dreg:$0x1]  }
0x3: {  	s3 =	rddreg [dreg:$0x2]  }
0x4: {  	s0 =	rddreg [dreg:$0x3]  }
0x5: {  	s1 =	stileid.u32;
	s4 =	simm.s32 $0x0;
	s7 =	srdreg.scid  }
0x6: {  	s17 =	simm.s32 $0x160C0;
	s18 =	simm.s32 $0x80;
	s19 =	simm.s32 $0x188C0  }
0x7: {  	s20 =	simm.s32 $0x1;
	s21 =	simm.s32 $0x0;
	s6 =	smul.u32 $0x500, s1  }
0x8: {  	[smem:$0x7FF] =	sst s4;
	s8 =	sand.u32 $0x1, s7;
	s23 =	smul.u32 $0x4E000, s1  }
0x9: {  	s10 =	smul.u32 $0x270, s1;
	s11 =	sadd.s32 $0xF600, s5;
	s30 =	sshll.u32 s1, $0x6  }
0xa: {  	s16 =	sadd.s32 $0x138000, s3;
	_ =	strace $0x80000047;
	s9 =	smul.u32 $0x2710, s8  }
0xb: {  	s24 =	ssub.s32 $0x2, s8;
	s13 =	smul.u32 $0x138800, s8;
	p0 =	seq.s32 s8, $0x1  }
0xc: {  	s12 =	sadd.s32 s6, s5;
	s25 =	sshrl.u32 s24, $0x1;
	s26 =	sshrl.u32 s23, $0x2  }
0xd: {  	s6 =	sor.u32 $0x1C02, s30;
	s14 =	ssub.s32 s24, s25;
	s28 =	sadd.s32 s10, s9  }
0xe: {  	s15 =	sadd.s32 s26, s3;
	s29 =	sshrl.u32 s13, $0x3;
	s8 =	sadd.s32 $0x600, s12  }
0xf: {  	s13 =	simm.s32 $0xA600;
	s9 =	sshll.u32 s28, $0x4;
	s31 =	sadd.s32 $0x27000, s29  }
0x10: {  	s13 =	simm.s32 @!p0 $0x5600;
	p0 =	sne.s32 s1, $0xF;
	s5 =	sadd.s32 s2, s9  }
0x11: {  	s7 =	sadd.s32 s2, s31;
	s9 =	sadd.s32 s11, s9;
	s10 =	sadd.s32 s11, s31  }
0x12: {  	s11 =	smax.u32 s14, $0x1;
	s12 =	sadd.s32 s13, s12;
	s13 =	sshrl.u32 s15, $0x3  }
0x13: {  	s14 =	simm.s32 $0x2;
	s15 =	sshrl.u32 @!p0 s16, $0x3;
	s16 =	simm.s32 $0x138C0  }
.LBB2_1:
0x14: {  	[spmem:s13], [sflag:s6] =	dma.local [hbm:s5], $0x2700  }
0x15: {  	_ =	swait.ge [sflag:s14], $0x2700  }
0x16: {  	[sflag:s14] =	ssyncset.done $0x0  }
0x17: {  	s22 =	simm.s32 @!p0 $0x2;
	[sflag:s14] =	ssyncadd.s32 $0xFFFFD900  }
0x18: {  	[spmem:s15], [sflag:s6] =	dma.local @!p0 [hbm:s7], $0x100  }
0x19: {  	_ =	swait.ge @!p0 [sflag:s22], $0x100  }
0x1a: {  	[sflag:s22] =	ssyncset.done @!p0 $0x0  }
0x1b: {  	[sflag:s22] =	ssyncadd.s32 @!p0 $0xFFFFFF00  }
0x1c: {  	[tilespmem:s16], [sflag:$0x2] =	stream.linear.gather [hbm4b:s12+s4], $0x2780, $0x38;
	[tilespmem:$0x1C8C0] =	vst v63  }
0x1d: {  	_ =	swait.ge [sflag:s14], $0x2780  }
0x1e: {  	[sflag:s14] =	ssyncset.done $0x0  }
0x1f: {  	[sflag:s14] =	ssyncadd.s32 $0xFFFFD880  }
0x20: {  	[tilespmem:s17], [sflag:$0x2] =	stream.linear.gather [hbm4b:s8+s4], $0x2780, $0x38;
	[tilespmem:$0x1C8C0] =	vst v63  }
0x21: {  	_ =	swait.ge [sflag:s14], $0x2780  }
0x22: {  	[sflag:s14] =	ssyncset.done $0x0  }
0x23: {  	[sflag:s14] =	ssyncadd.s32 $0xFFFFD880  }
0x24: {  	s30 =	simm.s32 $0x138C0;
	[bflag:$0x0] =	sbarrier.arrive $0xFFFF  }
0x25: {  	[tilespmem:s19], [sflag:$0x1] =	stream.indirect.gather [hbm4b:s2+s18], $0x80, s30, s18, $0xb8;
	[tilespmem:$0x1C8C0] =	vst v63  }
0x26: {  	_ =	swait.ge [sflag:s20], $0x4000  }
0x27: {  	[sflag:s20] =	ssyncset.done $0x0  }
0x28: {  	s31 =	simm.s32 $0x160C0;
	[sflag:s20] =	ssyncadd.s32 $0xFFFFC000  }
0x29: {  	[spmem:s3] =	stream.indirect.scatter.add.f32 [tilespmem:s19], [sflag:$0x2], $0x80, s31, s18, $0xb8;
	[tilespmem:$0x1C8C0] =	vst v63  }
0x2a: {  	_ =	swait.ge [sflag:s14], $0x4000  }
0x2b: {  	s23 =	simm.s32 $0x400;
	s22 =	simm.s32 $0x80;
	[sflag:s14] =	ssyncset.done $0x0  }
.LBB2_2:
0x2c: {  	s24 =	sadd.s32 $0x138C0, s22  }
0x2d: {  	[sflag:s14] =	ssyncadd.s32 $0xFFFFC000;
	s25 =	smov.u32 s23;
	s26 =	sadd.s32 $0x200, s23  }
0x2e: {  	[tilespmem:s19], [sflag:$0x1] =	stream.indirect.gather [hbm4b:s2+s18], $0x80, s24, s18, $0xb8;
	[tilespmem:$0x1C8C0] =	vst v63  }
0x2f: {  	p1 =	sne.s32 s23, $0x9C00;
	_ =	swait.ge [sflag:s20], $0x4000  }
.Ltmp0:
0x30: {  	[sflag:s20] =	ssyncset.done $0x0;
	(pc) =	sbr.rel @p1 .LBB2_2-.Ltmp0, $4  }
0x31: {  	s22 =	sadd.s32 $0x160C0, s22;
	[sflag:s20] =	ssyncadd.s32 $0xFFFFC000  }
0x32: {  	[spmem:s3] =	stream.indirect.scatter.add.f32 [tilespmem:s19], [sflag:$0x2], $0x80, s22, s18, $0xb8;
	[tilespmem:$0x1C8C0] =	vst v63  }
0x33: {  	_ =	swait.ge [sflag:s14], $0x4000  }
0x34: {  	s23 =	smov.u32 s26;
	s22 =	sshra.s32 s25, $0x2;
	[sflag:s14] =	ssyncset.done $0x0  }
0x35: {  	s23 =	sadd.s32 $0x138C0, s22;
	[sflag:s14] =	ssyncadd.s32 $0xFFFFC000  }
0x36: {  	[tilespmem:s19], [sflag:$0x1] =	stream.indirect.gather [hbm4b:s2+s18], $0x80, s23, s18, $0xb8;
	[tilespmem:$0x1C8C0] =	vst v63  }
0x37: {  	_ =	swait.ge [sflag:s20], $0x4000  }
0x38: {  	[sflag:s20] =	ssyncset.done $0x0  }
0x39: {  	s31 =	sadd.s32 $0x160C0, s22;
	[sflag:s20] =	ssyncadd.s32 $0xFFFFC000  }
0x3a: {  	[spmem:s3] =	stream.indirect.scatter.add.f32 [tilespmem:s19], [sflag:$0x2], $0x80, s31, s18, $0xb8;
	[tilespmem:$0x1C8C0] =	vst v63  }
0x3b: {  	_ =	swait.ge [sflag:s14], $0x4000  }
0x3c: {  	[sflag:s14] =	ssyncset.done $0x0  }
0x3d: {  	[sflag:s14] =	ssyncadd.s32 $0xFFFFC000  }
0x3e: {  	[bflag:$0x0] =	sbarrier.arrive $0xFFFF  }
0x3f: {  	[hbm:s9], [sflag:s6] =	dma.local [spmem:s13], $0x2700  }
0x40: {  	s21 =	sadd.s32 $0x1, s21;
	_ =	swait.ge [sflag:s14], $0x2700  }
0x41: {  	p1 =	sne.s32 s21, s11;
	[sflag:s14] =	ssyncset.done $0x0  }
.Ltmp1:
0x42: {  	s22 =	simm.s32 @!p0 $0x2;
	[sflag:s14] =	ssyncadd.s32 $0xFFFFD900;
	(pc) =	sbr.rel @p1 .LBB2_1-.Ltmp1, $4  }
0x43: {  	[hbm:s10], [sflag:s6] =	dma.local @!p0 [spmem:s15], $0x100  }
0x44: {  	_ =	swait.ge @!p0 [sflag:s22], $0x100  }
0x45: {  	[sflag:s22] =	ssyncset.done @!p0 $0x0  }
0x46: {  	[sflag:s22] =	ssyncadd.s32 @!p0 $0xFFFFFF00  }
0x47: {  	_ =	sfence.sel $0x180000  }
0x48: {  	[bflag:$0x0] =	sbarrier.arrive $0xFFFF  }
0x49: {  	p0 =	sne.s32 s1, $0x0;
	_ =	strace $0x90000047  }
0x4a: {  	s0 =	sadd.s32 @!p0 $0x100000, s0;
	[bflag:$0x2] =	sbarrier.arrive $0xFFFF  }
0x4b: {  	[sflag:s0] =	ssyncadd.tile.s32 @!p0 $0x1;
	_ =	shalt  }
.Lfunc_end2:
_tile_overlayer_lowered:
.L_overlay_start_2:
0x4c: {  	(tag) =	ssettag $0x2  }
0x4d: {  	s0 =	rddreg [dreg:$0x0];
	s2 =	stileid.u32  }
0x4e: {  	s1 =	rddreg [dreg:$0x1];
	p0 =	sne.s32 s2, $0x0  }
0x4f: {  	s3 =	rddreg [dreg:$0x2];
	[bflag:$0x3] =	sbarrier.arrive $0xFFFF;
	s2 =	simm.s32 @!p0 $0x1C02  }
0x50: {  	[timem:s3], [sflag:s2] =	dma.local @!p0 [hbm:s0], s1  }
0x51: {  	s0 =	simm.s32 @!p0 $0x2  }
0x52: {  	_ =	swait.ge @!p0 [sflag:s0], s1  }
0x53: {  	s1 =	ssub.s32 @!p0 $0x0, s1;
	[sflag:s0] =	ssyncset.done @!p0 $0x0  }
0x54: {  	[sflag:s0] =	ssyncadd.s32 @!p0 s1  }
0x55: {  	[bflag:$0x3] =	sbarrier.arrive $0xFFFF  }
0x56: {  	_ =	shalt  }

</sc_bundles>
